<compile_context>
chip_gen: v7x
topology: tpu7x:2x2x1
jax: 0.10.2.dev20260603
libtpu: 0.0.44.dev20260713+nightly
codegen_flags: <defaults>
</compile_context>

<pallas_src>
import functools

import jax
import jax.numpy as jnp
from jax import lax
from jax.experimental import pallas as pl
from jax.experimental.pallas import tpu as pltpu
from jax.experimental.pallas import tpu_sc as plsc

N = 10000
E = 320000
H = 128
L = 6

NB = 2000
EB = 2000

SC_CORES = 2
SC_SUBCORES = 16
EPW = E // (SC_CORES * SC_SUBCORES)
SB = 400
SC_ITERS = EPW // SB
SBS = 200
SC_ITERS_S = EPW // SBS

_F32 = jnp.float32


def _dot(a, b):
    return jnp.dot(a, b, preferred_element_type=_F32)


def _full_spec(shape):
    nd = len(shape)
    return pl.BlockSpec(shape, lambda i, _nd=nd: (0,) * _nd)


def _row_spec(cols, blk):
    return pl.BlockSpec((blk, cols), lambda i: (i, 0))



def _enc_body(x_ref, wne0_ref, bne0_ref, wne1_ref, bne1_ref, h_ref):
    t = jnp.maximum(_dot(x_ref[...], wne0_ref[...]) + bne0_ref[...], 0.0)
    h_ref[...] = _dot(t, wne1_ref[...]) + bne1_ref[...]


def _enc_call(x, wne0, bne0, wne1, bne1):
    return pl.pallas_call(
        _enc_body,
        grid=(N // NB,),
        in_specs=[_row_spec(x.shape[1], NB), _full_spec(wne0.shape),
                  _full_spec(bne0.shape), _full_spec(wne1.shape),
                  _full_spec(bne1.shape)],
        out_specs=_row_spec(H, NB),
        out_shape=jax.ShapeDtypeStruct((N, H), _F32),
    )(x, wne0, bne0, wne1, bne1)


def _edge_body(ea_ref, g1_ref, g2_ref, wee0_ref, bee0_ref, wee1_ref, bee1_ref,
               we0_ref, be0_ref, we1_ref, be1_ref, m_ref):
    a = jnp.maximum(_dot(ea_ref[...], wee0_ref[...]) + bee0_ref[...], 0.0)
    e = _dot(a, wee1_ref[...]) + bee1_ref[...]
    m_in = jnp.concatenate([g1_ref[...], g2_ref[...], e], axis=1)
    t = jnp.maximum(_dot(m_in, we0_ref[...]) + be0_ref[...], 0.0)
    m_ref[...] = _dot(t, we1_ref[...]) + be1_ref[...]


def _edge_call(ea, g1, g2, wee0, bee0, wee1, bee1, we0, be0, we1, be1):
    return pl.pallas_call(
        _edge_body,
        grid=(E // EB,),
        in_specs=[_row_spec(ea.shape[1], EB), _row_spec(H, EB), _row_spec(H, EB),
                  _full_spec(wee0.shape), _full_spec(bee0.shape),
                  _full_spec(wee1.shape), _full_spec(bee1.shape),
                  _full_spec(we0.shape), _full_spec(be0.shape),
                  _full_spec(we1.shape), _full_spec(be1.shape)],
        out_specs=_row_spec(H, EB),
        out_shape=jax.ShapeDtypeStruct((E, H), _F32),
    )(ea, g1, g2, wee0, bee0, wee1, bee1, we0, be0, we1, be1)


def _node_body(h_ref, agg_ref, wn0_ref, bn0_ref, wn1_ref, bn1_ref,
               hout_ref):
    h = h_ref[...]
    u_in = jnp.concatenate([h, agg_ref[...]], axis=1)
    t = jnp.maximum(_dot(u_in, wn0_ref[...]) + bn0_ref[...], 0.0)
    hout_ref[...] = h + _dot(t, wn1_ref[...]) + bn1_ref[...]


def _node_call(h, agg, wn0, bn0, wn1, bn1):
    return pl.pallas_call(
        _node_body,
        grid=(N // NB,),
        in_specs=[_row_spec(H, NB), _row_spec(H, NB),
                  _full_spec(wn0.shape), _full_spec(bn0.shape),
                  _full_spec(wn1.shape), _full_spec(bn1.shape)],
        out_specs=_row_spec(H, NB),
        out_shape=jax.ShapeDtypeStruct((N, H), _F32),
    )(h, agg, wn0, bn0, wn1, bn1)


def _dec_body(h_ref, wd0_ref, bd0_ref, wd1_ref, bd1_ref, wd2_ref, bd2_ref,
              mask_ref, out_ref):
    z = jnp.maximum(_dot(h_ref[...], wd0_ref[...]) + bd0_ref[...], 0.0)
    z = jnp.maximum(_dot(z, wd1_ref[...]) + bd1_ref[...], 0.0)
    pred = _dot(z, wd2_ref[...]) + bd2_ref[...]
    out_ref[...] = pred * mask_ref[...]


def _dec_call(h, wd0, bd0, wd1, bd1, wd2, bd2, mask):
    return pl.pallas_call(
        _dec_body,
        grid=(N // NB,),
        in_specs=[_row_spec(H, NB), _full_spec(wd0.shape), _full_spec(bd0.shape),
                  _full_spec(wd1.shape), _full_spec(bd1.shape),
                  _full_spec(wd2.shape), _full_spec(bd2.shape),
                  _row_spec(3, NB)],
        out_specs=_row_spec(3, NB),
        out_shape=jax.ShapeDtypeStruct((N, 3), _F32),
    )(h, wd0, bd0, wd1, bd1, wd2, bd2, mask)



def _sc_mesh():
    return plsc.VectorSubcoreMesh(core_axis_name="c", subcore_axis_name="s")


def _sc_gather(h, src, dst):
    @functools.partial(
        pl.kernel,
        out_type=(jax.ShapeDtypeStruct((E, H), _F32),
                  jax.ShapeDtypeStruct((E, H), _F32)),
        mesh=_sc_mesh(),
        scratch_types=[pltpu.VMEM((SB,), jnp.int32),
                       pltpu.VMEM((SB, H), _F32),
                       pltpu.SemaphoreType.DMA],
    )
    def gk(h_hbm, src_hbm, dst_hbm, g1_hbm, g2_hbm, idx_v, rows_v, sem):
        c = lax.axis_index("c")
        s = lax.axis_index("s")
        base = (c * SC_SUBCORES + s) * EPW

        @pl.loop(0, SC_ITERS)
        def _(i):
            off = base + i * SB
            pltpu.sync_copy(src_hbm.at[pl.ds(off, SB)], idx_v)
            pltpu.async_copy(h_hbm.at[idx_v], rows_v, sem).wait()
            pltpu.sync_copy(rows_v, g1_hbm.at[pl.ds(off, SB)])
            pltpu.sync_copy(dst_hbm.at[pl.ds(off, SB)], idx_v)
            pltpu.async_copy(h_hbm.at[idx_v], rows_v, sem).wait()
            pltpu.sync_copy(rows_v, g2_hbm.at[pl.ds(off, SB)])

    return gk(h, src, dst)


def _seg_body(dst_ref, m_ref, out_ref, acc_ref):
    i = pl.program_id(0)

    @pl.when(i == 0)
    def _():
        acc_ref[...] = jnp.zeros_like(acc_ref)

    def body(j, carry):
        idx = dst_ref[0, 0, j]
        acc_ref[pl.ds(idx, 1), :] += m_ref[pl.ds(j, 1), :]
        return carry

    lax.fori_loop(0, EB, body, 0)

    @pl.when(i == E // EB - 1)
    def _():
        out_ref[...] = acc_ref[...]


def _seg_call(m, dst3):
    return pl.pallas_call(
        _seg_body,
        grid=(E // EB,),
        in_specs=[pl.BlockSpec((1, 1, EB), lambda i: (i, 0, 0),
                               memory_space=pltpu.SMEM),
                  _row_spec(H, EB)],
        out_specs=_full_spec((N, H)),
        out_shape=jax.ShapeDtypeStruct((N, H), _F32),
        scratch_shapes=[pltpu.VMEM((N, H), _F32)],
    )(dst3, m)



def kernel(x, edge_attr, edge_index, bc_disp, bc_rot, Wne0, bne0, Wne1, bne1,
           Wee0, bee0, Wee1, bee1, We0, be0, We1, be1, Wn0, bn0, Wn1, bn1,
           Wd0, bd0, Wd1, bd1, Wd2, bd2):
    src = edge_index[0]
    dst = edge_index[1]
    mask = 1.0 - jnp.concatenate([bc_disp, bc_rot], axis=1)

    r2 = lambda b: b.reshape(1, -1)
    dst3 = dst.reshape(E // EB, 1, EB)

    h = _enc_call(x, Wne0, r2(bne0), Wne1, r2(bne1))

    def step(h, ws):
        we0, be0_l, we1, be1_l, wn0, bn0_l, wn1, bn1_l = ws
        g1, g2 = _sc_gather(h, src, dst)
        m = _edge_call(edge_attr, g1, g2, Wee0, r2(bee0), Wee1, r2(bee1),
                       we0, be0_l, we1, be1_l)
        agg = _seg_call(m, dst3)
        h2 = _node_call(h, agg, wn0, bn0_l, wn1, bn1_l)
        return h2, None

    ws = (We0, be0.reshape(L, 1, H), We1, be1.reshape(L, 1, H),
          Wn0, bn0.reshape(L, 1, H), Wn1, bn1.reshape(L, 1, H))
    h, _ = lax.scan(step, h, ws)

    return _dec_call(h, Wd0, r2(bd0), Wd1, r2(bd1), Wd2, r2(bd2), mask)

# --- scband reference (transcript-rebuilt; emitter-appended) ---
"""Pipeline reference for scband-pignn-29669634081206 (READ-ONLY COPY).

The authoritative reference and input builder live on the scoring server;
editing this copy changes nothing except your own understanding.
"""

import jax, jax.numpy as jnp
import numpy as np

N = 10000
E = 320000
H = 128
L = 6
NODE_IN = 9
EDGE_IN = 10
OUT = 3

def _p(k, shape):
    return jax.random.normal(k, shape, dtype=jnp.float32) * 0.05

def setup_inputs(seed: int = 0):
    key = jax.random.key(seed)
    ks = jax.random.split(key, 32)
    inp = {}
    inp["x"] = jax.random.normal(ks[0], (N, NODE_IN), dtype=jnp.float32)
    inp["edge_attr"] = jax.random.normal(ks[1], (E, EDGE_IN), dtype=jnp.float32)
    inp["edge_index"] = jax.random.randint(ks[2], (2, E), 0, N, dtype=jnp.int32)
    inp["bc_disp"] = jnp.zeros((N, 2), dtype=jnp.float32)
    inp["bc_rot"] = jnp.zeros((N, 1), dtype=jnp.float32)
    inp["Wne0"] = _p(ks[3], (NODE_IN, H)); inp["bne0"] = jnp.zeros((H,), jnp.float32)
    inp["Wne1"] = _p(ks[4], (H, H)); inp["bne1"] = jnp.zeros((H,), jnp.float32)
    inp["Wee0"] = _p(ks[5], (EDGE_IN, H)); inp["bee0"] = jnp.zeros((H,), jnp.float32)
    inp["Wee1"] = _p(ks[6], (H, H)); inp["bee1"] = jnp.zeros((H,), jnp.float32)
    inp["We0"] = _p(ks[7], (L, 3 * H, H)); inp["be0"] = jnp.zeros((L, H), jnp.float32)
    inp["We1"] = _p(ks[8], (L, H, H)); inp["be1"] = jnp.zeros((L, H), jnp.float32)
    inp["Wn0"] = _p(ks[9], (L, 2 * H, H)); inp["bn0"] = jnp.zeros((L, H), jnp.float32)
    inp["Wn1"] = _p(ks[10], (L, H, H)); inp["bn1"] = jnp.zeros((L, H), jnp.float32)
    inp["Wd0"] = _p(ks[11], (H, H)); inp["bd0"] = jnp.zeros((H,), jnp.float32)
    inp["Wd1"] = _p(ks[12], (H, 64)); inp["bd1"] = jnp.zeros((64,), jnp.float32)
    inp["Wd2"] = _p(ks[13], (64, OUT)); inp["bd2"] = jnp.zeros((OUT,), jnp.float32)
    return inp

def reference(x, edge_attr, edge_index, bc_disp, bc_rot, Wne0, bne0, Wne1, bne1, Wee0, bee0, Wee1, bee1, We0, be0, We1, be1, Wn0, bn0, Wn1, bn1, Wd0, bd0, Wd1, bd1, Wd2, bd2):
    h = jax.nn.relu(x @ Wne0 + bne0) @ Wne1 + bne1
    e = jax.nn.relu(edge_attr @ Wee0 + bee0) @ Wee1 + bee1
    src = edge_index[0]
    dst = edge_index[1]
    for l in range(L):
        m_in = jnp.concatenate([h[src], h[dst], e], axis=1)
        m = jax.nn.relu(m_in @ We0[l] + be0[l]) @ We1[l] + be1[l]
        agg = jax.ops.segment_sum(m, dst, num_segments=h.shape[0])
        u_in = jnp.concatenate([h, agg], axis=1)
        upd = jax.nn.relu(u_in @ Wn0[l] + bn0[l]) @ Wn1[l] + bn1[l]
        h = h + upd
    z = jax.nn.relu(h @ Wd0 + bd0)
    z = jax.nn.relu(z @ Wd1 + bd1)
    pred = z @ Wd2 + bd2
    disp_mask = 1.0 - bc_disp
    rot_mask = 1.0 - bc_rot
    return jnp.concatenate([pred[:, 0:2] * disp_mask, pred[:, 2:3] * rot_mask], axis=1)

if __name__ == "__main__":
    import jax
    _d = setup_inputs()
    print(jax.jit(kernel)(*tuple(_d.values())))

</pallas_src>

<mosaic_0001>
#map = affine_map<(d0, d1) -> (0, 0)>
#map1 = affine_map<(d0, d1) -> (0)>
module attributes {stable_mosaic.version = 14 : i64} {
  func.func @gk(%arg0: i32, %arg1: i32, %arg2: memref<10000x128xf32, #tpu.memory_space<hbm>>, %arg3: memref<320000xi32, #tpu.memory_space<hbm>>, %arg4: memref<320000xi32, #tpu.memory_space<hbm>>, %arg5: memref<320000x128xf32, #tpu.memory_space<hbm>>, %arg6: memref<320000x128xf32, #tpu.memory_space<hbm>>, %arg7: memref<400xi32, #tpu.memory_space<vmem>>, %arg8: memref<400x128xf32, #tpu.memory_space<vmem>>, %arg9: memref<!tpu.dma_semaphore, #tpu.memory_space<semaphore_mem>>) attributes {dimension_semantics = [#tpu.dimension_semantics<core_parallel>, #tpu.dimension_semantics<subcore_parallel>], iteration_bounds = array<i64: 2, 16>, scalar_prefetch = 0 : i64, scratch_operands = 3 : i64, tpu.core_type = #tpu.core_type<sc_vector_subcore>, window_params = [{transform_indices = #map}, {transform_indices = #map1}, {transform_indices = #map1}, {transform_indices = #map}, {transform_indices = #map}]} {
    %mul3A = arith.constant 16 : i32
    %mul3A_0 = arith.muli %arg0, %mul3A : i32
    %add3A = arith.addi %mul3A_0, %arg1 : i32
    %mul3A_1 = arith.constant 10000 : i32
    %mul3A_2 = arith.muli %add3A, %mul3A_1 : i32
    %scan3A = arith.constant 0 : i32
    %scan3A_3 = arith.constant 25 : i32
    %scan3A_4 = arith.addi %scan3A, %scan3A_3 : i32
    %scan3A_5 = arith.constant 1 : i32
    scf.for %scan3A_7 = %scan3A to %scan3A_4 step %scan3A_5  : i32 {
      %mul3A_8 = arith.constant 1 : i32
      %mul3A_9 = arith.muli %scan3A_7, %mul3A_8 : i32
      %add3A_10 = arith.constant 0 : i32
      %add3A_11 = arith.addi %add3A_10, %mul3A_9 : i32
      %mul3A_12 = arith.constant 400 : i32
      %mul3A_13 = arith.muli %add3A_11, %mul3A_12 : i32
      %add3A_14 = arith.addi %mul3A_2, %mul3A_13 : i32
      "tpu.region"() ({
        %run_scoped3A = tpu.sem_alloc : memref<!tpu.dma_semaphore, #tpu.memory_space<semaphore_mem>>
        %dma_start3A_25 = tpu.memref_slice %arg3[%add3A_14] : memref<320000xi32, #tpu.memory_space<hbm>> -> memref<400xi32, #tpu.memory_space<hbm>>
        %dma_start3A_26 = tpu.memref_slice %arg3[%add3A_14] : memref<320000xi32, #tpu.memory_space<hbm>> -> memref<400xi32, #tpu.memory_space<hbm>>
        tpu.enqueue_dma source(%dma_start3A_26 : memref<400xi32, #tpu.memory_space<hbm>>) target(%arg7 : memref<400xi32, #tpu.memory_space<vmem>>) target_semaphore(%run_scoped3A : memref<!tpu.dma_semaphore, #tpu.memory_space<semaphore_mem>>)
        %dma_wait3A_27 = tpu.memref_slice %arg3[%add3A_14] : memref<320000xi32, #tpu.memory_space<hbm>> -> memref<400xi32, #tpu.memory_space<hbm>>
        %dma_wait3A_28 = tpu.memref_slice %arg3[%add3A_14] : memref<320000xi32, #tpu.memory_space<hbm>> -> memref<400xi32, #tpu.memory_space<hbm>>
        tpu.wait_dma2 semaphore(%run_scoped3A : memref<!tpu.dma_semaphore, #tpu.memory_space<semaphore_mem>>) src(%dma_wait3A_28 : memref<400xi32, #tpu.memory_space<hbm>>) dst(%arg7 : memref<400xi32, #tpu.memory_space<vmem>>)
        tpu.yield
      }) : () -> ()
      %dma_start3A = arith.constant 0 : i32
      %dma_start3A_15 = arith.constant 0 : i32
      %dma_start3A_16 = tpu.memref_slice %arg2[%dma_start3A, %dma_start3A_15] : memref<10000x128xf32, #tpu.memory_space<hbm>> -> memref<10000x128xf32, #tpu.memory_space<hbm>>
      tpu.enqueue_indirect_dma source(%dma_start3A_16 : memref<10000x128xf32, #tpu.memory_space<hbm>>) target(%arg8 : memref<400x128xf32, #tpu.memory_space<vmem>>) offsets(%arg7 : memref<400xi32, #tpu.memory_space<vmem>>) semaphore(%arg9 : memref<!tpu.dma_semaphore, #tpu.memory_space<semaphore_mem>>)
      %dma_wait3A = arith.constant 0 : i32
      %dma_wait3A_17 = arith.constant 0 : i32
      %dma_wait3A_18 = tpu.memref_slice %arg2[%dma_wait3A, %dma_wait3A_17] : memref<10000x128xf32, #tpu.memory_space<hbm>> -> memref<10000x128xf32, #tpu.memory_space<hbm>>
      tpu.wait_indirect_dma semaphore(%arg9 : memref<!tpu.dma_semaphore, #tpu.memory_space<semaphore_mem>>) src(%dma_wait3A_18 : memref<10000x128xf32, #tpu.memory_space<hbm>>) dst(%arg8 : memref<400x128xf32, #tpu.memory_space<vmem>>)
      "tpu.region"() ({
        %run_scoped3A = tpu.sem_alloc : memref<!tpu.dma_semaphore, #tpu.memory_space<semaphore_mem>>
        %dma_start3A_25 = arith.constant 0 : i32
        %dma_start3A_26 = tpu.memref_slice %arg5[%add3A_14, %dma_start3A_25] : memref<320000x128xf32, #tpu.memory_space<hbm>> -> memref<400x128xf32, #tpu.memory_space<hbm>>
        %dma_start3A_27 = arith.constant 0 : i32
        %dma_start3A_28 = tpu.memref_slice %arg5[%add3A_14, %dma_start3A_27] : memref<320000x128xf32, #tpu.memory_space<hbm>> -> memref<400x128xf32, #tpu.memory_space<hbm>>
        tpu.enqueue_dma source(%arg8 : memref<400x128xf32, #tpu.memory_space<vmem>>) target(%dma_start3A_28 : memref<400x128xf32, #tpu.memory_space<hbm>>) target_semaphore(%run_scoped3A : memref<!tpu.dma_semaphore, #tpu.memory_space<semaphore_mem>>)
        %dma_wait3A_29 = arith.constant 0 : i32
        %dma_wait3A_30 = tpu.memref_slice %arg5[%add3A_14, %dma_wait3A_29] : memref<320000x128xf32, #tpu.memory_space<hbm>> -> memref<400x128xf32, #tpu.memory_space<hbm>>
        %dma_wait3A_31 = arith.constant 0 : i32
        %dma_wait3A_32 = tpu.memref_slice %arg5[%add3A_14, %dma_wait3A_31] : memref<320000x128xf32, #tpu.memory_space<hbm>> -> memref<400x128xf32, #tpu.memory_space<hbm>>
        tpu.wait_dma2 semaphore(%run_scoped3A : memref<!tpu.dma_semaphore, #tpu.memory_space<semaphore_mem>>) src(%arg8 : memref<400x128xf32, #tpu.memory_space<vmem>>) dst(%dma_wait3A_32 : memref<400x128xf32, #tpu.memory_space<hbm>>)
        tpu.yield
      }) : () -> ()
      "tpu.region"() ({
        %run_scoped3A = tpu.sem_alloc : memref<!tpu.dma_semaphore, #tpu.memory_space<semaphore_mem>>
        %dma_start3A_25 = tpu.memref_slice %arg4[%add3A_14] : memref<320000xi32, #tpu.memory_space<hbm>> -> memref<400xi32, #tpu.memory_space<hbm>>
        %dma_start3A_26 = tpu.memref_slice %arg4[%add3A_14] : memref<320000xi32, #tpu.memory_space<hbm>> -> memref<400xi32, #tpu.memory_space<hbm>>
        tpu.enqueue_dma source(%dma_start3A_26 : memref<400xi32, #tpu.memory_space<hbm>>) target(%arg7 : memref<400xi32, #tpu.memory_space<vmem>>) target_semaphore(%run_scoped3A : memref<!tpu.dma_semaphore, #tpu.memory_space<semaphore_mem>>)
        %dma_wait3A_27 = tpu.memref_slice %arg4[%add3A_14] : memref<320000xi32, #tpu.memory_space<hbm>> -> memref<400xi32, #tpu.memory_space<hbm>>
        %dma_wait3A_28 = tpu.memref_slice %arg4[%add3A_14] : memref<320000xi32, #tpu.memory_space<hbm>> -> memref<400xi32, #tpu.memory_space<hbm>>
        tpu.wait_dma2 semaphore(%run_scoped3A : memref<!tpu.dma_semaphore, #tpu.memory_space<semaphore_mem>>) src(%dma_wait3A_28 : memref<400xi32, #tpu.memory_space<hbm>>) dst(%arg7 : memref<400xi32, #tpu.memory_space<vmem>>)
        tpu.yield
      }) : () -> ()
      %dma_start3A_19 = arith.constant 0 : i32
      %dma_start3A_20 = arith.constant 0 : i32
      %dma_start3A_21 = tpu.memref_slice %arg2[%dma_start3A_19, %dma_start3A_20] : memref<10000x128xf32, #tpu.memory_space<hbm>> -> memref<10000x128xf32, #tpu.memory_space<hbm>>
      tpu.enqueue_indirect_dma source(%dma_start3A_21 : memref<10000x128xf32, #tpu.memory_space<hbm>>) target(%arg8 : memref<400x128xf32, #tpu.memory_space<vmem>>) offsets(%arg7 : memref<400xi32, #tpu.memory_space<vmem>>) semaphore(%arg9 : memref<!tpu.dma_semaphore, #tpu.memory_space<semaphore_mem>>)
      %dma_wait3A_22 = arith.constant 0 : i32
      %dma_wait3A_23 = arith.constant 0 : i32
      %dma_wait3A_24 = tpu.memref_slice %arg2[%dma_wait3A_22, %dma_wait3A_23] : memref<10000x128xf32, #tpu.memory_space<hbm>> -> memref<10000x128xf32, #tpu.memory_space<hbm>>
      tpu.wait_indirect_dma semaphore(%arg9 : memref<!tpu.dma_semaphore, #tpu.memory_space<semaphore_mem>>) src(%dma_wait3A_24 : memref<10000x128xf32, #tpu.memory_space<hbm>>) dst(%arg8 : memref<400x128xf32, #tpu.memory_space<vmem>>)
      "tpu.region"() ({
        %run_scoped3A = tpu.sem_alloc : memref<!tpu.dma_semaphore, #tpu.memory_space<semaphore_mem>>
        %dma_start3A_25 = arith.constant 0 : i32
        %dma_start3A_26 = tpu.memref_slice %arg6[%add3A_14, %dma_start3A_25] : memref<320000x128xf32, #tpu.memory_space<hbm>> -> memref<400x128xf32, #tpu.memory_space<hbm>>
        %dma_start3A_27 = arith.constant 0 : i32
        %dma_start3A_28 = tpu.memref_slice %arg6[%add3A_14, %dma_start3A_27] : memref<320000x128xf32, #tpu.memory_space<hbm>> -> memref<400x128xf32, #tpu.memory_space<hbm>>
        tpu.enqueue_dma source(%arg8 : memref<400x128xf32, #tpu.memory_space<vmem>>) target(%dma_start3A_28 : memref<400x128xf32, #tpu.memory_space<hbm>>) target_semaphore(%run_scoped3A : memref<!tpu.dma_semaphore, #tpu.memory_space<semaphore_mem>>)
        %dma_wait3A_29 = arith.constant 0 : i32
        %dma_wait3A_30 = tpu.memref_slice %arg6[%add3A_14, %dma_wait3A_29] : memref<320000x128xf32, #tpu.memory_space<hbm>> -> memref<400x128xf32, #tpu.memory_space<hbm>>
        %dma_wait3A_31 = arith.constant 0 : i32
        %dma_wait3A_32 = tpu.memref_slice %arg6[%add3A_14, %dma_wait3A_31] : memref<320000x128xf32, #tpu.memory_space<hbm>> -> memref<400x128xf32, #tpu.memory_space<hbm>>
        tpu.wait_dma2 semaphore(%run_scoped3A : memref<!tpu.dma_semaphore, #tpu.memory_space<semaphore_mem>>) src(%arg8 : memref<400x128xf32, #tpu.memory_space<vmem>>) dst(%dma_wait3A_32 : memref<400x128xf32, #tpu.memory_space<hbm>>)
        tpu.yield
      }) : () -> ()
    }
    %scan3A_6 = arith.constant 25 : i32
    return
  }
}

module attributes {stable_mosaic.version = 14 : i64} {
  func.func @_enc_body(%arg0: i32, %arg1: memref<2000x9xf32, #tpu.memory_space<vmem>>, %arg2: memref<9x128xf32, #tpu.memory_space<vmem>>, %arg3: memref<1x128xf32, #tpu.memory_space<vmem>>, %arg4: memref<128x128xf32, #tpu.memory_space<vmem>>, %arg5: memref<1x128xf32, #tpu.memory_space<vmem>>, %arg6: memref<2000x128xf32, #tpu.memory_space<vmem>>) attributes {dimension_semantics = [#tpu.dimension_semantics<arbitrary>], iteration_bounds = array<i64: 5>, scalar_prefetch = 0 : i64, scratch_operands = 0 : i64, tpu.core_type = #tpu.core_type<tc>, window_params = [{transform_indices = @transform_0, window_bounds = array<i64: 2000, 9>}, {pipeline_mode = #tpu.pipeline_mode<synchronous>, transform_indices = @transform_1, window_bounds = array<i64: 9, 128>}, {pipeline_mode = #tpu.pipeline_mode<synchronous>, transform_indices = @transform_2, window_bounds = array<i64: 1, 128>}, {pipeline_mode = #tpu.pipeline_mode<synchronous>, transform_indices = @transform_3, window_bounds = array<i64: 128, 128>}, {pipeline_mode = #tpu.pipeline_mode<synchronous>, transform_indices = @transform_4, window_bounds = array<i64: 1, 128>}, {transform_indices = @transform_5, window_bounds = array<i64: 2000, 128>}]} {
    %get3A = arith.constant 0 : index
    %get3A_0 = arith.constant 0 : index
    %get3A_1 = vector.load %arg1[%get3A, %get3A_0] : memref<2000x9xf32, #tpu.memory_space<vmem>>, vector<2000x9xf32>
    %get3A_2 = arith.constant 0 : index
    %get3A_3 = arith.constant 0 : index
    %get3A_4 = vector.load %arg2[%get3A_2, %get3A_3] : memref<9x128xf32, #tpu.memory_space<vmem>>, vector<9x128xf32>
    %dot_general3A = arith.constant dense<0.000000e+00> : vector<2000x128xf32>
    %dot_general3A_5 = tpu.matmul %get3A_1, %get3A_4, %dot_general3A {dimension_numbers = #tpu.dot_dimension_numbers<[1], [0], [0], [1], [0, 0, 1, 1], [], []>, transpose_lhs_hint = false} : vector<2000x9xf32>, vector<9x128xf32>, vector<2000x128xf32> -> vector<2000x128xf32>
    %get3A_6 = arith.constant 0 : index
    %get3A_7 = arith.constant 0 : index
    %get3A_8 = vector.load %arg3[%get3A_6, %get3A_7] : memref<1x128xf32, #tpu.memory_space<vmem>>, vector<1x128xf32>
    %add3A = vector.broadcast %get3A_8 : vector<1x128xf32> to vector<2000x128xf32>
    %add3A_9 = arith.addf %dot_general3A_5, %add3A : vector<2000x128xf32>
    %max3A = arith.constant 0.000000e+00 : f32
    %max3A_10 = vector.broadcast %max3A : f32 to vector<2000x128xf32>
    %max3A_11 = arith.maximumf %add3A_9, %max3A_10 : vector<2000x128xf32>
    %get3A_12 = arith.constant 0 : index
    %get3A_13 = arith.constant 0 : index
    %get3A_14 = vector.load %arg4[%get3A_12, %get3A_13] : memref<128x128xf32, #tpu.memory_space<vmem>>, vector<128x128xf32>
    %dot_general3A_15 = arith.constant dense<0.000000e+00> : vector<2000x128xf32>
    %dot_general3A_16 = tpu.matmul %max3A_11, %get3A_14, %dot_general3A_15 {dimension_numbers = #tpu.dot_dimension_numbers<[1], [0], [0], [1], [0, 0, 1, 1], [], []>, transpose_lhs_hint = false} : vector<2000x128xf32>, vector<128x128xf32>, vector<2000x128xf32> -> vector<2000x128xf32>
    %get3A_17 = arith.constant 0 : index
    %get3A_18 = arith.constant 0 : index
    %get3A_19 = vector.load %arg5[%get3A_17, %get3A_18] : memref<1x128xf32, #tpu.memory_space<vmem>>, vector<1x128xf32>
    %add3A_20 = vector.broadcast %get3A_19 : vector<1x128xf32> to vector<2000x128xf32>
    %add3A_21 = arith.addf %dot_general3A_16, %add3A_20 : vector<2000x128xf32>
    %swap3A = arith.constant 0 : index
    %swap3A_22 = arith.constant 0 : index
    %swap3A_23 = vector.load %arg6[%swap3A, %swap3A_22] : memref<2000x128xf32, #tpu.memory_space<vmem>>, vector<2000x128xf32>
    tpu.vector_store %arg6[%swap3A, %swap3A_22], %add3A_21 {strides = array<i32>} : memref<2000x128xf32, #tpu.memory_space<vmem>>, vector<2000x128xf32>,
    return
  }
  func.func @transform_0(%arg0: i32) -> (i32, i32) {
    %c0_i32 = arith.constant 0 : i32
    %c0_i32_0 = arith.constant 0 : i32
    return %arg0, %c0_i32 : i32, i32
  }
  func.func @transform_1(%arg0: i32) -> (i32, i32) {
    %c0_i32 = arith.constant 0 : i32
    %c0_i32_0 = arith.constant 0 : i32
    %c0_i32_1 = arith.constant 0 : i32
    return %c0_i32, %c0_i32_0 : i32, i32
  }
  func.func @transform_2(%arg0: i32) -> (i32, i32) {
    %c0_i32 = arith.constant 0 : i32
    %c0_i32_0 = arith.constant 0 : i32
    %c0_i32_1 = arith.constant 0 : i32
    return %c0_i32, %c0_i32_0 : i32, i32
  }
  func.func @transform_3(%arg0: i32) -> (i32, i32) {
    %c0_i32 = arith.constant 0 : i32
    %c0_i32_0 = arith.constant 0 : i32
    %c0_i32_1 = arith.constant 0 : i32
    return %c0_i32, %c0_i32_0 : i32, i32
  }
  func.func @transform_4(%arg0: i32) -> (i32, i32) {
    %c0_i32 = arith.constant 0 : i32
    %c0_i32_0 = arith.constant 0 : i32
    %c0_i32_1 = arith.constant 0 : i32
    return %c0_i32, %c0_i32_0 : i32, i32
  }
  func.func @transform_5(%arg0: i32) -> (i32, i32) {
    %c0_i32 = arith.constant 0 : i32
    %c0_i32_0 = arith.constant 0 : i32
    return %arg0, %c0_i32 : i32, i32
  }
}

module attributes {stable_mosaic.version = 14 : i64} {
  func.func @_edge_body(%arg0: i32, %arg1: memref<2000x10xf32, #tpu.memory_space<vmem>>, %arg2: memref<2000x128xf32, #tpu.memory_space<vmem>>, %arg3: memref<2000x128xf32, #tpu.memory_space<vmem>>, %arg4: memref<10x128xf32, #tpu.memory_space<vmem>>, %arg5: memref<1x128xf32, #tpu.memory_space<vmem>>, %arg6: memref<128x128xf32, #tpu.memory_space<vmem>>, %arg7: memref<1x128xf32, #tpu.memory_space<vmem>>, %arg8: memref<384x128xf32, #tpu.memory_space<vmem>>, %arg9: memref<1x128xf32, #tpu.memory_space<vmem>>, %arg10: memref<128x128xf32, #tpu.memory_space<vmem>>, %arg11: memref<1x128xf32, #tpu.memory_space<vmem>>, %arg12: memref<2000x128xf32, #tpu.memory_space<vmem>>) attributes {dimension_semantics = [#tpu.dimension_semantics<arbitrary>], iteration_bounds = array<i64: 160>, scalar_prefetch = 0 : i64, scratch_operands = 0 : i64, tpu.core_type = #tpu.core_type<tc>, window_params = [{transform_indices = @transform_0, window_bounds = array<i64: 2000, 10>}, {transform_indices = @transform_1, window_bounds = array<i64: 2000, 128>}, {transform_indices = @transform_2, window_bounds = array<i64: 2000, 128>}, {pipeline_mode = #tpu.pipeline_mode<synchronous>, transform_indices = @transform_3, window_bounds = array<i64: 10, 128>}, {pipeline_mode = #tpu.pipeline_mode<synchronous>, transform_indices = @transform_4, window_bounds = array<i64: 1, 128>}, {pipeline_mode = #tpu.pipeline_mode<synchronous>, transform_indices = @transform_5, window_bounds = array<i64: 128, 128>}, {pipeline_mode = #tpu.pipeline_mode<synchronous>, transform_indices = @transform_6, window_bounds = array<i64: 1, 128>}, {pipeline_mode = #tpu.pipeline_mode<synchronous>, transform_indices = @transform_7, window_bounds = array<i64: 384, 128>}, {pipeline_mode = #tpu.pipeline_mode<synchronous>, transform_indices = @transform_8, window_bounds = array<i64: 1, 128>}, {pipeline_mode = #tpu.pipeline_mode<synchronous>, transform_indices = @transform_9, window_bounds = array<i64: 128, 128>}, {pipeline_mode = #tpu.pipeline_mode<synchronous>, transform_indices = @transform_10, window_bounds = array<i64: 1, 128>}, {transform_indices = @transform_11, window_bounds = array<i64: 2000, 128>}]} {
    %get3A = arith.constant 0 : index
    %get3A_0 = arith.constant 0 : index
    %get3A_1 = vector.load %arg1[%get3A, %get3A_0] : memref<2000x10xf32, #tpu.memory_space<vmem>>, vector<2000x10xf32>
    %get3A_2 = arith.constant 0 : index
    %get3A_3 = arith.constant 0 : index
    %get3A_4 = vector.load %arg4[%get3A_2, %get3A_3] : memref<10x128xf32, #tpu.memory_space<vmem>>, vector<10x128xf32>
    %dot_general3A = arith.constant dense<0.000000e+00> : vector<2000x128xf32>
    %dot_general3A_5 = tpu.matmul %get3A_1, %get3A_4, %dot_general3A {dimension_numbers = #tpu.dot_dimension_numbers<[1], [0], [0], [1], [0, 0, 1, 1], [], []>, transpose_lhs_hint = false} : vector<2000x10xf32>, vector<10x128xf32>, vector<2000x128xf32> -> vector<2000x128xf32>
    %get3A_6 = arith.constant 0 : index
    %get3A_7 = arith.constant 0 : index
    %get3A_8 = vector.load %arg5[%get3A_6, %get3A_7] : memref<1x128xf32, #tpu.memory_space<vmem>>, vector<1x128xf32>
    %add3A = vector.broadcast %get3A_8 : vector<1x128xf32> to vector<2000x128xf32>
    %add3A_9 = arith.addf %dot_general3A_5, %add3A : vector<2000x128xf32>
    %max3A = arith.constant 0.000000e+00 : f32
    %max3A_10 = vector.broadcast %max3A : f32 to vector<2000x128xf32>
    %max3A_11 = arith.maximumf %add3A_9, %max3A_10 : vector<2000x128xf32>
    %get3A_12 = arith.constant 0 : index
    %get3A_13 = arith.constant 0 : index
    %get3A_14 = vector.load %arg6[%get3A_12, %get3A_13] : memref<128x128xf32, #tpu.memory_space<vmem>>, vector<128x128xf32>
    %dot_general3A_15 = arith.constant dense<0.000000e+00> : vector<2000x128xf32>
    %dot_general3A_16 = tpu.matmul %max3A_11, %get3A_14, %dot_general3A_15 {dimension_numbers = #tpu.dot_dimension_numbers<[1], [0], [0], [1], [0, 0, 1, 1], [], []>, transpose_lhs_hint = false} : vector<2000x128xf32>, vector<128x128xf32>, vector<2000x128xf32> -> vector<2000x128xf32>
    %get3A_17 = arith.constant 0 : index
    %get3A_18 = arith.constant 0 : index
    %get3A_19 = vector.load %arg7[%get3A_17, %get3A_18] : memref<1x128xf32, #tpu.memory_space<vmem>>, vector<1x128xf32>
    %add3A_20 = vector.broadcast %get3A_19 : vector<1x128xf32> to vector<2000x128xf32>
    %add3A_21 = arith.addf %dot_general3A_16, %add3A_20 : vector<2000x128xf32>
    %get3A_22 = arith.constant 0 : index
    %get3A_23 = arith.constant 0 : index
    %get3A_24 = vector.load %arg2[%get3A_22, %get3A_23] : memref<2000x128xf32, #tpu.memory_space<vmem>>, vector<2000x128xf32>
    %get3A_25 = arith.constant 0 : index
    %get3A_26 = arith.constant 0 : index
    %get3A_27 = vector.load %arg3[%get3A_25, %get3A_26] : memref<2000x128xf32, #tpu.memory_space<vmem>>, vector<2000x128xf32>
    %concatenate3A = tpu.concatenate %get3A_24, %get3A_27, %add3A_21 in 1 : vector<2000x128xf32>, vector<2000x128xf32>, vector<2000x128xf32> -> vector<2000x384xf32>
    %get3A_28 = arith.constant 0 : index
    %get3A_29 = arith.constant 0 : index
    %get3A_30 = vector.load %arg8[%get3A_28, %get3A_29] : memref<384x128xf32, #tpu.memory_space<vmem>>, vector<384x128xf32>
    %dot_general3A_31 = arith.constant dense<0.000000e+00> : vector<2000x128xf32>
    %dot_general3A_32 = tpu.matmul %concatenate3A, %get3A_30, %dot_general3A_31 {dimension_numbers = #tpu.dot_dimension_numbers<[1], [0], [0], [1], [0, 0, 1, 1], [], []>, transpose_lhs_hint = false} : vector<2000x384xf32>, vector<384x128xf32>, vector<2000x128xf32> -> vector<2000x128xf32>
    %get3A_33 = arith.constant 0 : index
    %get3A_34 = arith.constant 0 : index
    %get3A_35 = vector.load %arg9[%get3A_33, %get3A_34] : memref<1x128xf32, #tpu.memory_space<vmem>>, vector<1x128xf32>
    %add3A_36 = vector.broadcast %get3A_35 : vector<1x128xf32> to vector<2000x128xf32>
    %add3A_37 = arith.addf %dot_general3A_32, %add3A_36 : vector<2000x128xf32>
    %max3A_38 = arith.constant 0.000000e+00 : f32
    %max3A_39 = vector.broadcast %max3A_38 : f32 to vector<2000x128xf32>
    %max3A_40 = arith.maximumf %add3A_37, %max3A_39 : vector<2000x128xf32>
    %get3A_41 = arith.constant 0 : index
    %get3A_42 = arith.constant 0 : index
    %get3A_43 = vector.load %arg10[%get3A_41, %get3A_42] : memref<128x128xf32, #tpu.memory_space<vmem>>, vector<128x128xf32>
    %dot_general3A_44 = arith.constant dense<0.000000e+00> : vector<2000x128xf32>
    %dot_general3A_45 = tpu.matmul %max3A_40, %get3A_43, %dot_general3A_44 {dimension_numbers = #tpu.dot_dimension_numbers<[1], [0], [0], [1], [0, 0, 1, 1], [], []>, transpose_lhs_hint = false} : vector<2000x128xf32>, vector<128x128xf32>, vector<2000x128xf32> -> vector<2000x128xf32>
    %get3A_46 = arith.constant 0 : index
    %get3A_47 = arith.constant 0 : index
    %get3A_48 = vector.load %arg11[%get3A_46, %get3A_47] : memref<1x128xf32, #tpu.memory_space<vmem>>, vector<1x128xf32>
    %add3A_49 = vector.broadcast %get3A_48 : vector<1x128xf32> to vector<2000x128xf32>
    %add3A_50 = arith.addf %dot_general3A_45, %add3A_49 : vector<2000x128xf32>
    %swap3A = arith.constant 0 : index
    %swap3A_51 = arith.constant 0 : index
    %swap3A_52 = vector.load %arg12[%swap3A, %swap3A_51] : memref<2000x128xf32, #tpu.memory_space<vmem>>, vector<2000x128xf32>
    tpu.vector_store %arg12[%swap3A, %swap3A_51], %add3A_50 {strides = array<i32>} : memref<2000x128xf32, #tpu.memory_space<vmem>>, vector<2000x128xf32>,
    return
  }
  func.func @transform_0(%arg0: i32) -> (i32, i32) {
    %c0_i32 = arith.constant 0 : i32
    %c0_i32_0 = arith.constant 0 : i32
    return %arg0, %c0_i32 : i32, i32
  }
  func.func @transform_1(%arg0: i32) -> (i32, i32) {
    %c0_i32 = arith.constant 0 : i32
    %c0_i32_0 = arith.constant 0 : i32
    return %arg0, %c0_i32 : i32, i32
  }
  func.func @transform_2(%arg0: i32) -> (i32, i32) {
    %c0_i32 = arith.constant 0 : i32
    %c0_i32_0 = arith.constant 0 : i32
    return %arg0, %c0_i32 : i32, i32
  }
  func.func @transform_3(%arg0: i32) -> (i32, i32) {
    %c0_i32 = arith.constant 0 : i32
    %c0_i32_0 = arith.constant 0 : i32
    %c0_i32_1 = arith.constant 0 : i32
    return %c0_i32, %c0_i32_0 : i32, i32
  }
  func.func @transform_4(%arg0: i32) -> (i32, i32) {
    %c0_i32 = arith.constant 0 : i32
    %c0_i32_0 = arith.constant 0 : i32
    %c0_i32_1 = arith.constant 0 : i32
    return %c0_i32, %c0_i32_0 : i32, i32
  }
  func.func @transform_5(%arg0: i32) -> (i32, i32) {
    %c0_i32 = arith.constant 0 : i32
    %c0_i32_0 = arith.constant 0 : i32
    %c0_i32_1 = arith.constant 0 : i32
    return %c0_i32, %c0_i32_0 : i32, i32
  }
  func.func @transform_6(%arg0: i32) -> (i32, i32) {
    %c0_i32 = arith.constant 0 : i32
    %c0_i32_0 = arith.constant 0 : i32
    %c0_i32_1 = arith.constant 0 : i32
    return %c0_i32, %c0_i32_0 : i32, i32
  }
  func.func @transform_7(%arg0: i32) -> (i32, i32) {
    %c0_i32 = arith.constant 0 : i32
    %c0_i32_0 = arith.constant 0 : i32
    %c0_i32_1 = arith.constant 0 : i32
    return %c0_i32, %c0_i32_0 : i32, i32
  }
  func.func @transform_8(%arg0: i32) -> (i32, i32) {
    %c0_i32 = arith.constant 0 : i32
    %c0_i32_0 = arith.constant 0 : i32
    %c0_i32_1 = arith.constant 0 : i32
    return %c0_i32, %c0_i32_0 : i32, i32
  }
  func.func @transform_9(%arg0: i32) -> (i32, i32) {
    %c0_i32 = arith.constant 0 : i32
    %c0_i32_0 = arith.constant 0 : i32
    %c0_i32_1 = arith.constant 0 : i32
    return %c0_i32, %c0_i32_0 : i32, i32
  }
  func.func @transform_10(%arg0: i32) -> (i32, i32) {
    %c0_i32 = arith.constant 0 : i32
    %c0_i32_0 = arith.constant 0 : i32
    %c0_i32_1 = arith.constant 0 : i32
    return %c0_i32, %c0_i32_0 : i32, i32
  }
  func.func @transform_11(%arg0: i32) -> (i32, i32) {
    %c0_i32 = arith.constant 0 : i32
    %c0_i32_0 = arith.constant 0 : i32
    return %arg0, %c0_i32 : i32, i32
  }
}

module attributes {stable_mosaic.version = 14 : i64} {
  func.func @_seg_body(%arg0: i32, %arg1: memref<1x1x2000xi32, #tpu.memory_space<smem>>, %arg2: memref<2000x128xf32, #tpu.memory_space<vmem>>, %arg3: memref<10000x128xf32, #tpu.memory_space<vmem>>, %arg4: memref<10000x128xf32, #tpu.memory_space<vmem>>) attributes {dimension_semantics = [#tpu.dimension_semantics<arbitrary>], iteration_bounds = array<i64: 160>, scalar_prefetch = 0 : i64, scratch_operands = 1 : i64, tpu.core_type = #tpu.core_type<tc>, window_params = [{transform_indices = @transform_0, window_bounds = array<i64: 1, 1, 2000>}, {transform_indices = @transform_1, window_bounds = array<i64: 2000, 128>}, {pipeline_mode = #tpu.pipeline_mode<synchronous>, transform_indices = @transform_2, window_bounds = array<i64: 10000, 128>}]} {
    %eq3A = arith.constant 0 : i32
    %eq3A_0 = arith.cmpi eq, %arg0, %eq3A : i32
    %convert_element_type3A = arith.extui %eq3A_0 : i1 to i32
    %cond3A = arith.constant 0 : i32
    %cond3A_1 = arith.cmpi ne, %convert_element_type3A, %cond3A : i32
    scf.if %cond3A_1 {
      %broadcast_in_dim3A = arith.constant 0.000000e+00 : f32
      %broadcast_in_dim3A_11 = vector.broadcast %broadcast_in_dim3A : f32 to vector<10000x128xf32>
      %swap3A = arith.constant 0 : index
      %swap3A_12 = arith.constant 0 : index
      %swap3A_13 = vector.load %arg4[%swap3A, %swap3A_12] : memref<10000x128xf32, #tpu.memory_space<vmem>>, vector<10000x128xf32>
      tpu.vector_store %arg4[%swap3A, %swap3A_12], %broadcast_in_dim3A_11 {strides = array<i32>} : memref<10000x128xf32, #tpu.memory_space<vmem>>, vector<10000x128xf32>,
    } else {
    }
    %scan3A = arith.constant 0 : i32
    %scan3A_2 = arith.constant 2000 : i32
    %scan3A_3 = arith.addi %scan3A, %scan3A_2 : i32
    %scan3A_4 = arith.constant 1 : i32
    scf.for %scan3A_11 = %scan3A to %scan3A_3 step %scan3A_4  : i32 {
      %get3A = arith.constant 0 : index
      %get3A_12 = arith.constant 0 : index
      %get3A_13 = arith.index_cast %scan3A_11 : i32 to index
      %get3A_14 = memref.load %arg1[%get3A, %get3A_12, %get3A_13] : memref<1x1x2000xi32, #tpu.memory_space<smem>>
      %get3A_15 = arith.index_cast %get3A_14 : i32 to index
      %get3A_16 = arith.constant 0 : index
      %get3A_17 = vector.load %arg4[%get3A_15, %get3A_16] : memref<10000x128xf32, #tpu.memory_space<vmem>>, vector<1x128xf32>
      %get3A_18 = arith.index_cast %scan3A_11 : i32 to index
      %get3A_19 = arith.constant 0 : index
      %get3A_20 = vector.load %arg2[%get3A_18, %get3A_19] : memref<2000x128xf32, #tpu.memory_space<vmem>>, vector<1x128xf32>
      %add3A = arith.addf %get3A_17, %get3A_20 : vector<1x128xf32>
      %swap3A = arith.index_cast %get3A_14 : i32 to index
      %swap3A_21 = arith.constant 0 : index
      %swap3A_22 = vector.load %arg4[%swap3A, %swap3A_21] : memref<10000x128xf32, #tpu.memory_space<vmem>>, vector<1x128xf32>
      tpu.vector_store %arg4[%swap3A, %swap3A_21], %add3A {strides = array<i32>} : memref<10000x128xf32, #tpu.memory_space<vmem>>, vector<1x128xf32>,
    }
    %scan3A_5 = arith.constant 2000 : i32
    %eq3A_6 = arith.constant 159 : i32
    %eq3A_7 = arith.cmpi eq, %arg0, %eq3A_6 : i32
    %convert_element_type3A_8 = arith.extui %eq3A_7 : i1 to i32
    %cond3A_9 = arith.constant 0 : i32
    %cond3A_10 = arith.cmpi ne, %convert_element_type3A_8, %cond3A_9 : i32
    scf.if %cond3A_10 {
      %get3A = arith.constant 0 : index
      %get3A_11 = arith.constant 0 : index
      %get3A_12 = vector.load %arg4[%get3A, %get3A_11] : memref<10000x128xf32, #tpu.memory_space<vmem>>, vector<10000x128xf32>
      %swap3A = arith.constant 0 : index
      %swap3A_13 = arith.constant 0 : index
      %swap3A_14 = vector.load %arg3[%swap3A, %swap3A_13] : memref<10000x128xf32, #tpu.memory_space<vmem>>, vector<10000x128xf32>
      tpu.vector_store %arg3[%swap3A, %swap3A_13], %get3A_12 {strides = array<i32>} : memref<10000x128xf32, #tpu.memory_space<vmem>>, vector<10000x128xf32>,
    } else {
    }
    return
  }
  func.func @transform_0(%arg0: i32) -> (i32, i32, i32) {
    %c0_i32 = arith.constant 0 : i32
    %c0_i32_0 = arith.constant 0 : i32
    %c0_i32_1 = arith.constant 0 : i32
    return %arg0, %c0_i32, %c0_i32_0 : i32, i32, i32
  }
  func.func @transform_1(%arg0: i32) -> (i32, i32) {
    %c0_i32 = arith.constant 0 : i32
    %c0_i32_0 = arith.constant 0 : i32
    return %arg0, %c0_i32 : i32, i32
  }
  func.func @transform_2(%arg0: i32) -> (i32, i32) {
    %c0_i32 = arith.constant 0 : i32
    %c0_i32_0 = arith.constant 0 : i32
    %c0_i32_1 = arith.constant 0 : i32
    return %c0_i32, %c0_i32_0 : i32, i32
  }
}

module attributes {stable_mosaic.version = 14 : i64} {
  func.func @_node_body(%arg0: i32, %arg1: memref<2000x128xf32, #tpu.memory_space<vmem>>, %arg2: memref<2000x128xf32, #tpu.memory_space<vmem>>, %arg3: memref<256x128xf32, #tpu.memory_space<vmem>>, %arg4: memref<1x128xf32, #tpu.memory_space<vmem>>, %arg5: memref<128x128xf32, #tpu.memory_space<vmem>>, %arg6: memref<1x128xf32, #tpu.memory_space<vmem>>, %arg7: memref<2000x128xf32, #tpu.memory_space<vmem>>) attributes {dimension_semantics = [#tpu.dimension_semantics<arbitrary>], iteration_bounds = array<i64: 5>, scalar_prefetch = 0 : i64, scratch_operands = 0 : i64, tpu.core_type = #tpu.core_type<tc>, window_params = [{transform_indices = @transform_0, window_bounds = array<i64: 2000, 128>}, {transform_indices = @transform_1, window_bounds = array<i64: 2000, 128>}, {pipeline_mode = #tpu.pipeline_mode<synchronous>, transform_indices = @transform_2, window_bounds = array<i64: 256, 128>}, {pipeline_mode = #tpu.pipeline_mode<synchronous>, transform_indices = @transform_3, window_bounds = array<i64: 1, 128>}, {pipeline_mode = #tpu.pipeline_mode<synchronous>, transform_indices = @transform_4, window_bounds = array<i64: 128, 128>}, {pipeline_mode = #tpu.pipeline_mode<synchronous>, transform_indices = @transform_5, window_bounds = array<i64: 1, 128>}, {transform_indices = @transform_6, window_bounds = array<i64: 2000, 128>}]} {
    %get3A = arith.constant 0 : index
    %get3A_0 = arith.constant 0 : index
    %get3A_1 = vector.load %arg1[%get3A, %get3A_0] : memref<2000x128xf32, #tpu.memory_space<vmem>>, vector<2000x128xf32>
    %get3A_2 = arith.constant 0 : index
    %get3A_3 = arith.constant 0 : index
    %get3A_4 = vector.load %arg2[%get3A_2, %get3A_3] : memref<2000x128xf32, #tpu.memory_space<vmem>>, vector<2000x128xf32>
    %concatenate3A = tpu.concatenate %get3A_1, %get3A_4 in 1 : vector<2000x128xf32>, vector<2000x128xf32> -> vector<2000x256xf32>
    %get3A_5 = arith.constant 0 : index
    %get3A_6 = arith.constant 0 : index
    %get3A_7 = vector.load %arg3[%get3A_5, %get3A_6] : memref<256x128xf32, #tpu.memory_space<vmem>>, vector<256x128xf32>
    %dot_general3A = arith.constant dense<0.000000e+00> : vector<2000x128xf32>
    %dot_general3A_8 = tpu.matmul %concatenate3A, %get3A_7, %dot_general3A {dimension_numbers = #tpu.dot_dimension_numbers<[1], [0], [0], [1], [0, 0, 1, 1], [], []>, transpose_lhs_hint = false} : vector<2000x256xf32>, vector<256x128xf32>, vector<2000x128xf32> -> vector<2000x128xf32>
    %get3A_9 = arith.constant 0 : index
    %get3A_10 = arith.constant 0 : index
    %get3A_11 = vector.load %arg4[%get3A_9, %get3A_10] : memref<1x128xf32, #tpu.memory_space<vmem>>, vector<1x128xf32>
    %add3A = vector.broadcast %get3A_11 : vector<1x128xf32> to vector<2000x128xf32>
    %add3A_12 = arith.addf %dot_general3A_8, %add3A : vector<2000x128xf32>
    %max3A = arith.constant 0.000000e+00 : f32
    %max3A_13 = vector.broadcast %max3A : f32 to vector<2000x128xf32>
    %max3A_14 = arith.maximumf %add3A_12, %max3A_13 : vector<2000x128xf32>
    %get3A_15 = arith.constant 0 : index
    %get3A_16 = arith.constant 0 : index
    %get3A_17 = vector.load %arg5[%get3A_15, %get3A_16] : memref<128x128xf32, #tpu.memory_space<vmem>>, vector<128x128xf32>
    %dot_general3A_18 = arith.constant dense<0.000000e+00> : vector<2000x128xf32>
    %dot_general3A_19 = tpu.matmul %max3A_14, %get3A_17, %dot_general3A_18 {dimension_numbers = #tpu.dot_dimension_numbers<[1], [0], [0], [1], [0, 0, 1, 1], [], []>, transpose_lhs_hint = false} : vector<2000x128xf32>, vector<128x128xf32>, vector<2000x128xf32> -> vector<2000x128xf32>
    %add3A_20 = arith.addf %get3A_1, %dot_general3A_19 : vector<2000x128xf32>
    %get3A_21 = arith.constant 0 : index
    %get3A_22 = arith.constant 0 : index
    %get3A_23 = vector.load %arg6[%get3A_21, %get3A_22] : memref<1x128xf32, #tpu.memory_space<vmem>>, vector<1x128xf32>
    %add3A_24 = vector.broadcast %get3A_23 : vector<1x128xf32> to vector<2000x128xf32>
    %add3A_25 = arith.addf %add3A_20, %add3A_24 : vector<2000x128xf32>
    %swap3A = arith.constant 0 : index
    %swap3A_26 = arith.constant 0 : index
    %swap3A_27 = vector.load %arg7[%swap3A, %swap3A_26] : memref<2000x128xf32, #tpu.memory_space<vmem>>, vector<2000x128xf32>
    tpu.vector_store %arg7[%swap3A, %swap3A_26], %add3A_25 {strides = array<i32>} : memref<2000x128xf32, #tpu.memory_space<vmem>>, vector<2000x128xf32>,
    return
  }
  func.func @transform_0(%arg0: i32) -> (i32, i32) {
    %c0_i32 = arith.constant 0 : i32
    %c0_i32_0 = arith.constant 0 : i32
    return %arg0, %c0_i32 : i32, i32
  }
  func.func @transform_1(%arg0: i32) -> (i32, i32) {
    %c0_i32 = arith.constant 0 : i32
    %c0_i32_0 = arith.constant 0 : i32
    return %arg0, %c0_i32 : i32, i32
  }
  func.func @transform_2(%arg0: i32) -> (i32, i32) {
    %c0_i32 = arith.constant 0 : i32
    %c0_i32_0 = arith.constant 0 : i32
    %c0_i32_1 = arith.constant 0 : i32
    return %c0_i32, %c0_i32_0 : i32, i32
  }
  func.func @transform_3(%arg0: i32) -> (i32, i32) {
    %c0_i32 = arith.constant 0 : i32
    %c0_i32_0 = arith.constant 0 : i32
    %c0_i32_1 = arith.constant 0 : i32
    return %c0_i32, %c0_i32_0 : i32, i32
  }
  func.func @transform_4(%arg0: i32) -> (i32, i32) {
    %c0_i32 = arith.constant 0 : i32
    %c0_i32_0 = arith.constant 0 : i32
    %c0_i32_1 = arith.constant 0 : i32
    return %c0_i32, %c0_i32_0 : i32, i32
  }
  func.func @transform_5(%arg0: i32) -> (i32, i32) {
    %c0_i32 = arith.constant 0 : i32
    %c0_i32_0 = arith.constant 0 : i32
    %c0_i32_1 = arith.constant 0 : i32
    return %c0_i32, %c0_i32_0 : i32, i32
  }
  func.func @transform_6(%arg0: i32) -> (i32, i32) {
    %c0_i32 = arith.constant 0 : i32
    %c0_i32_0 = arith.constant 0 : i32
    return %arg0, %c0_i32 : i32, i32
  }
}

module attributes {stable_mosaic.version = 14 : i64} {
  func.func @_dec_body(%arg0: i32, %arg1: memref<2000x128xf32, #tpu.memory_space<vmem>>, %arg2: memref<128x128xf32, #tpu.memory_space<vmem>>, %arg3: memref<1x128xf32, #tpu.memory_space<vmem>>, %arg4: memref<128x64xf32, #tpu.memory_space<vmem>>, %arg5: memref<1x64xf32, #tpu.memory_space<vmem>>, %arg6: memref<64x3xf32, #tpu.memory_space<vmem>>, %arg7: memref<1x3xf32, #tpu.memory_space<vmem>>, %arg8: memref<2000x3xf32, #tpu.memory_space<vmem>>, %arg9: memref<2000x3xf32, #tpu.memory_space<vmem>>) attributes {dimension_semantics = [#tpu.dimension_semantics<arbitrary>], iteration_bounds = array<i64: 5>, scalar_prefetch = 0 : i64, scratch_operands = 0 : i64, tpu.core_type = #tpu.core_type<tc>, window_params = [{transform_indices = @transform_0, window_bounds = array<i64: 2000, 128>}, {pipeline_mode = #tpu.pipeline_mode<synchronous>, transform_indices = @transform_1, window_bounds = array<i64: 128, 128>}, {pipeline_mode = #tpu.pipeline_mode<synchronous>, transform_indices = @transform_2, window_bounds = array<i64: 1, 128>}, {pipeline_mode = #tpu.pipeline_mode<synchronous>, transform_indices = @transform_3, window_bounds = array<i64: 128, 64>}, {pipeline_mode = #tpu.pipeline_mode<synchronous>, transform_indices = @transform_4, window_bounds = array<i64: 1, 64>}, {pipeline_mode = #tpu.pipeline_mode<synchronous>, transform_indices = @transform_5, window_bounds = array<i64: 64, 3>}, {pipeline_mode = #tpu.pipeline_mode<synchronous>, transform_indices = @transform_6, window_bounds = array<i64: 1, 3>}, {transform_indices = @transform_7, window_bounds = array<i64: 2000, 3>}, {transform_indices = @transform_8, window_bounds = array<i64: 2000, 3>}]} {
    %get3A = arith.constant 0 : index
    %get3A_0 = arith.constant 0 : index
    %get3A_1 = vector.load %arg1[%get3A, %get3A_0] : memref<2000x128xf32, #tpu.memory_space<vmem>>, vector<2000x128xf32>
    %get3A_2 = arith.constant 0 : index
    %get3A_3 = arith.constant 0 : index
    %get3A_4 = vector.load %arg2[%get3A_2, %get3A_3] : memref<128x128xf32, #tpu.memory_space<vmem>>, vector<128x128xf32>
    %dot_general3A = arith.constant dense<0.000000e+00> : vector<2000x128xf32>
    %dot_general3A_5 = tpu.matmul %get3A_1, %get3A_4, %dot_general3A {dimension_numbers = #tpu.dot_dimension_numbers<[1], [0], [0], [1], [0, 0, 1, 1], [], []>, transpose_lhs_hint = false} : vector<2000x128xf32>, vector<128x128xf32>, vector<2000x128xf32> -> vector<2000x128xf32>
    %get3A_6 = arith.constant 0 : index
    %get3A_7 = arith.constant 0 : index
    %get3A_8 = vector.load %arg3[%get3A_6, %get3A_7] : memref<1x128xf32, #tpu.memory_space<vmem>>, vector<1x128xf32>
    %add3A = vector.broadcast %get3A_8 : vector<1x128xf32> to vector<2000x128xf32>
    %add3A_9 = arith.addf %dot_general3A_5, %add3A : vector<2000x128xf32>
    %max3A = arith.constant 0.000000e+00 : f32
    %max3A_10 = vector.broadcast %max3A : f32 to vector<2000x128xf32>
    %max3A_11 = arith.maximumf %add3A_9, %max3A_10 : vector<2000x128xf32>
    %get3A_12 = arith.constant 0 : index
    %get3A_13 = arith.constant 0 : index
    %get3A_14 = vector.load %arg4[%get3A_12, %get3A_13] : memref<128x64xf32, #tpu.memory_space<vmem>>, vector<128x64xf32>
    %dot_general3A_15 = arith.constant dense<0.000000e+00> : vector<2000x64xf32>
    %dot_general3A_16 = tpu.matmul %max3A_11, %get3A_14, %dot_general3A_15 {dimension_numbers = #tpu.dot_dimension_numbers<[1], [0], [0], [1], [0, 0, 1, 1], [], []>, transpose_lhs_hint = false} : vector<2000x128xf32>, vector<128x64xf32>, vector<2000x64xf32> -> vector<2000x64xf32>
    %get3A_17 = arith.constant 0 : index
    %get3A_18 = arith.constant 0 : index
    %get3A_19 = vector.load %arg5[%get3A_17, %get3A_18] : memref<1x64xf32, #tpu.memory_space<vmem>>, vector<1x64xf32>
    %add3A_20 = vector.broadcast %get3A_19 : vector<1x64xf32> to vector<2000x64xf32>
    %add3A_21 = arith.addf %dot_general3A_16, %add3A_20 : vector<2000x64xf32>
    %max3A_22 = arith.constant 0.000000e+00 : f32
    %max3A_23 = vector.broadcast %max3A_22 : f32 to vector<2000x64xf32>
    %max3A_24 = arith.maximumf %add3A_21, %max3A_23 : vector<2000x64xf32>
    %get3A_25 = arith.constant 0 : index
    %get3A_26 = arith.constant 0 : index
    %get3A_27 = vector.load %arg6[%get3A_25, %get3A_26] : memref<64x3xf32, #tpu.memory_space<vmem>>, vector<64x3xf32>
    %dot_general3A_28 = arith.constant dense<0.000000e+00> : vector<2000x3xf32>
    %dot_general3A_29 = tpu.matmul %max3A_24, %get3A_27, %dot_general3A_28 {dimension_numbers = #tpu.dot_dimension_numbers<[1], [0], [0], [1], [0, 0, 1, 1], [], []>, transpose_lhs_hint = false} : vector<2000x64xf32>, vector<64x3xf32>, vector<2000x3xf32> -> vector<2000x3xf32>
    %get3A_30 = arith.constant 0 : index
    %get3A_31 = arith.constant 0 : index
    %get3A_32 = vector.load %arg7[%get3A_30, %get3A_31] : memref<1x3xf32, #tpu.memory_space<vmem>>, vector<1x3xf32>
    %add3A_33 = vector.broadcast %get3A_32 : vector<1x3xf32> to vector<2000x3xf32>
    %add3A_34 = arith.addf %dot_general3A_29, %add3A_33 : vector<2000x3xf32>
    %get3A_35 = arith.constant 0 : index
    %get3A_36 = arith.constant 0 : index
    %get3A_37 = vector.load %arg8[%get3A_35, %get3A_36] : memref<2000x3xf32, #tpu.memory_space<vmem>>, vector<2000x3xf32>
    %mul3A = arith.mulf %add3A_34, %get3A_37 : vector<2000x3xf32>
    %swap3A = arith.constant 0 : index
    %swap3A_38 = arith.constant 0 : index
    %swap3A_39 = vector.load %arg9[%swap3A, %swap3A_38] : memref<2000x3xf32, #tpu.memory_space<vmem>>, vector<2000x3xf32>
    tpu.vector_store %arg9[%swap3A, %swap3A_38], %mul3A {strides = array<i32>} : memref<2000x3xf32, #tpu.memory_space<vmem>>, vector<2000x3xf32>,
    return
  }
  func.func @transform_0(%arg0: i32) -> (i32, i32) {
    %c0_i32 = arith.constant 0 : i32
    %c0_i32_0 = arith.constant 0 : i32
    return %arg0, %c0_i32 : i32, i32
  }
  func.func @transform_1(%arg0: i32) -> (i32, i32) {
    %c0_i32 = arith.constant 0 : i32
    %c0_i32_0 = arith.constant 0 : i32
    %c0_i32_1 = arith.constant 0 : i32
    return %c0_i32, %c0_i32_0 : i32, i32
  }
  func.func @transform_2(%arg0: i32) -> (i32, i32) {
    %c0_i32 = arith.constant 0 : i32
    %c0_i32_0 = arith.constant 0 : i32
    %c0_i32_1 = arith.constant 0 : i32
    return %c0_i32, %c0_i32_0 : i32, i32
  }
  func.func @transform_3(%arg0: i32) -> (i32, i32) {
    %c0_i32 = arith.constant 0 : i32
    %c0_i32_0 = arith.constant 0 : i32
    %c0_i32_1 = arith.constant 0 : i32
    return %c0_i32, %c0_i32_0 : i32, i32
  }
  func.func @transform_4(%arg0: i32) -> (i32, i32) {
    %c0_i32 = arith.constant 0 : i32
    %c0_i32_0 = arith.constant 0 : i32
    %c0_i32_1 = arith.constant 0 : i32
    return %c0_i32, %c0_i32_0 : i32, i32
  }
  func.func @transform_5(%arg0: i32) -> (i32, i32) {
    %c0_i32 = arith.constant 0 : i32
    %c0_i32_0 = arith.constant 0 : i32
    %c0_i32_1 = arith.constant 0 : i32
    return %c0_i32, %c0_i32_0 : i32, i32
  }
  func.func @transform_6(%arg0: i32) -> (i32, i32) {
    %c0_i32 = arith.constant 0 : i32
    %c0_i32_0 = arith.constant 0 : i32
    %c0_i32_1 = arith.constant 0 : i32
    return %c0_i32, %c0_i32_0 : i32, i32
  }
  func.func @transform_7(%arg0: i32) -> (i32, i32) {
    %c0_i32 = arith.constant 0 : i32
    %c0_i32_0 = arith.constant 0 : i32
    return %arg0, %c0_i32 : i32, i32
  }
  func.func @transform_8(%arg0: i32) -> (i32, i32) {
    %c0_i32 = arith.constant 0 : i32
    %c0_i32_0 = arith.constant 0 : i32
    return %arg0, %c0_i32 : i32, i32
  }
}

</mosaic_0001>

<sc_bundles>
// kernel: closed_call.15.cloned.1.call-start
scs
__scs_entry_jumppad:
0x0: {  	(pc) =	sbr.rel $0x88, $3  }
0x1: {  	(tag) =	ssettag $0x0;
	lr =	simm.s32 $0x1  }
0x2: {  	[smem:$0x3F86] =	sst lr;
	_ =	strace $0xD0000000  }
0x3: {  	_ = 	snop  }
0x4: {  	_ = 	snop  }
0x5: {  	_ = 	snop  }
0x6: {  	_ = 	snop  }
0x7: {  	_ = 	snop  }
__scs_overlays_trampoline_lowered:
0x8: {  	[smem:$0x3F95] =	sst s0  }
0x9: {  	[smem:$0x3F96] =	sst s1  }
0xa: {  	[smem:$0x3F97] =	sst s2  }
0xb: {  	[smem:$0x3F98] =	sst s3  }
0xc: {  	[smem:$0x3F99] =	sst s4  }
0xd: {  	[smem:$0x3F9A] =	sst s5  }
0xe: {  	[smem:$0x3F9B] =	sst s6  }
0xf: {  	[smem:$0x3F9C] =	sst s7  }
0x10: {  	[smem:$0x3F9D] =	sst s8  }
0x11: {  	[smem:$0x3F9E] =	sst s9;
	s0 =	simm.s32 @!p0 $0x0  }
0x12: {  	s1 =	sld [smem:$0x3F84];
	s0 =	simm.s32 @p0 $0x1  }
0x13: {  	[smem:$0x3F9F] =	sst s0;
	s0 =	simm.s32 @!p1 $0x0  }
0x14: {  	s2 =	sld [smem:$0x3F83];
	s0 =	simm.s32 @p1 $0x1  }
0x15: {  	[smem:$0x3FA0] =	sst s0;
	s0 =	simm.s32 @!p2 $0x0  }
0x16: {  	s3 =	sld [smem:$0x3FDB];
	s0 =	simm.s32 @p2 $0x1  }
0x17: {  	s4 =	simm.s32 $0x1BF5;
	[smem:$0x3FA2] =	sst s0  }
0x18: {  	s0 =	sld [smem:$0x3F85];
	_ =	swait.ge [sflag:s4], $0x0  }
0x19: {  	s7 =	sld [smem:$0x3F86]  }
0x1a: {  	s8 =	sadd.s32 $0xFFFFE003, lr  }
0x1b: {  	s9 =	sadd.s32 $0xFFFFFEF7, lr;
	s5 =	simm.s32 $0xFFFFFFFF;
	p2 =	slt.u32 s8, $0xFFFFF086  }
0x1c: {  	p1 =	slt.u32 s9, $0xF7A;
	s5 =	simm.s32 @!p2 $0x0  }
0x1d: {  	s5 =	simm.s32 @p1 $0x1;
	p0 =	seq.s32 s7, s2  }
0x1e: {  	s7 =	smul.u32 @!p0 $0xF7A, s2;
	p2 =	seq.s32 @!p0 s5, $0x0  }
0x1f: {  	s9 =	smul.u32 $0xF7A, s1;
	s8 =	simm.s32 @!p0 $0x1BF5;
	p2 =	por !p2, p0  }
0x20: {  	[sflag:s8] =	ssyncset.s32 @!p0 $0xFFFFF086;
	s6 =	sadd.s32 @!p0 s3, s7;
	s7 =	simm.s32 @!p0 $0x108  }
0x21: {  	s3 =	sadd.s32 s3, s9;
	s6 =	sadd.s32 @!p0 $0x88, s6;
	s7 =	simm.s32 @p2 $0x1082  }
0x22: {  	[simem:s7], [sflag:s8] =	dma.local @!p0 [hbm:s6], $0xF7A  }
0x23: {  	s9 =	sor.u32 $0xD0000000, s2;
	s6 =	simm.s32 $0x108;
	_ =	swait.ge @!p0 [sflag:s8], $0x0  }
0x24: {  	s3 =	sadd.s32 $0x88, s3;
	s6 =	simm.s32 @!p1 $0x1082;
	[sflag:s4] =	ssyncset.s32 $0xFFFFF086  }
0x25: {  	[simem:s6], [sflag:s4] =	dma.local [hbm:s3], $0xF7A  }
0x26: {  	[smem:$0x3F86] =	sst s1;
	(tag) =	ssettag s2;
	_ =	strace s9  }
0x27: {  	s1 =	sld [smem:$0x3F96]  }
0x28: {  	s2 =	sld [smem:$0x3F97]  }
0x29: {  	s4 =	sld [smem:$0x3F99]  }
0x2a: {  	p0 =	seq.s32 s5, $0x0;
	s5 =	sld [smem:$0x3F9A]  }
0x2b: {  	s6 =	sld [smem:$0x3F9B]  }
0x2c: {  	s7 =	sld [smem:$0x3F9C]  }
0x2d: {  	s3 =	simm.s32 $0x108;
	s8 =	sld [smem:$0x3F9D]  }
0x2e: {  	s3 =	simm.s32 @!p0 $0x1082;
	s9 =	sld [smem:$0x3F9E]  }
0x2f: {  	lr =	sadd.s32 s0, s3;
	s0 =	sld [smem:$0x3F95]  }
0x30: {  	s3 =	sld [smem:$0x3F98]  }
0x31: {  	[smem:$0x3FA1] =	sst s10  }
0x32: {  	s10 =	sld [smem:$0x3F9F];
	_ =	sdelay $0x3  }
0x33: {  	p0 =	seq.s32 s10, $0x1;
	s10 =	sld [smem:$0x3FA1];
	_ =	sdelay $0x3  }
0x34: {  	[smem:$0x3FA1] =	sst s10  }
0x35: {  	s10 =	sld [smem:$0x3FA0];
	_ =	sdelay $0x3  }
0x36: {  	p1 =	seq.s32 s10, $0x1;
	s10 =	sld [smem:$0x3FA1];
	_ =	sdelay $0x3  }
0x37: {  	[smem:$0x3FA1] =	sst s10  }
0x38: {  	s10 =	sld [smem:$0x3FA2]  }
0x39: {  	_ = 	snop;
	(pc) =	sbr.ind lr, $3  }
0x3a: {  	_ = 	snop  }
0x3b: {  	_ = 	snop  }
0x3c: {  	p2 =	seq.s32 s10, $0x1;
	s10 =	sld [smem:$0x3FA1]  }
0x3d: {  	_ =	shalt  }
0x3e: {  	_ =	shalt  }
0x3f: {  	_ =	shalt  }
0x40: {  	_ =	shalt  }
0x41: {  	_ =	shalt  }
0x42: {  	_ =	shalt  }
0x43: {  	_ =	shalt  }
0x44: {  	_ =	shalt  }
0x45: {  	_ =	shalt  }
0x46: {  	_ =	shalt  }
0x47: {  	_ =	shalt  }
0x48: {  	_ =	shalt  }
0x49: {  	_ =	shalt  }
0x4a: {  	_ =	shalt  }
0x4b: {  	_ =	shalt  }
0x4c: {  	_ =	shalt  }
0x4d: {  	_ =	shalt  }
0x4e: {  	_ =	shalt  }
0x4f: {  	_ =	shalt  }
0x50: {  	_ =	shalt  }
0x51: {  	_ =	shalt  }
0x52: {  	_ =	shalt  }
0x53: {  	_ =	shalt  }
0x54: {  	_ =	shalt  }
0x55: {  	_ =	shalt  }
0x56: {  	_ =	shalt  }
0x57: {  	_ =	shalt  }
0x58: {  	_ =	shalt  }
0x59: {  	_ =	shalt  }
0x5a: {  	_ =	shalt  }
0x5b: {  	_ =	shalt  }
0x5c: {  	_ =	shalt  }
0x5d: {  	_ =	shalt  }
0x5e: {  	_ =	shalt  }
0x5f: {  	_ =	shalt  }
0x60: {  	_ =	shalt  }
0x61: {  	_ =	shalt  }
0x62: {  	_ =	shalt  }
0x63: {  	_ =	shalt  }
0x64: {  	_ =	shalt  }
0x65: {  	_ =	shalt  }
0x66: {  	_ =	shalt  }
0x67: {  	_ =	shalt  }
0x68: {  	_ =	shalt  }
0x69: {  	_ =	shalt  }
0x6a: {  	_ =	shalt  }
0x6b: {  	_ =	shalt  }
0x6c: {  	_ =	shalt  }
0x6d: {  	_ =	shalt  }
0x6e: {  	_ =	shalt  }
0x6f: {  	_ =	shalt  }
0x70: {  	_ =	shalt  }
0x71: {  	_ =	shalt  }
0x72: {  	_ =	shalt  }
0x73: {  	_ =	shalt  }
0x74: {  	_ =	shalt  }
0x75: {  	_ =	shalt  }
0x76: {  	_ =	shalt  }
0x77: {  	_ =	shalt  }
0x78: {  	_ =	shalt  }
0x79: {  	_ =	shalt  }
0x7a: {  	_ =	shalt  }
0x7b: {  	_ =	shalt  }
0x7c: {  	_ =	shalt  }
0x7d: {  	_ =	shalt  }
0x7e: {  	_ =	shalt  }
0x7f: {  	_ =	shalt  }
0x80: {  	_ =	shalt  }
0x81: {  	_ =	shalt  }
0x82: {  	_ =	shalt  }
0x83: {  	_ =	shalt  }
0x84: {  	_ =	shalt  }
0x85: {  	_ =	shalt  }
0x86: {  	_ =	shalt  }
0x87: {  	_ =	shalt  }
.Lfunc_end0:
.L_simem_size_0:
called_computation_lowered:
.L_overlay_start_0:
0x88: {  	s2 =	sld [smem:$0x3FD9]  }
0x89: {  	s3 =	sld [smem:$0x3FFE];
	_ =	sdelay $0x1  }
0x8a: {  	s1 =	srdreg.scid  }
0x8b: {  	s0 =	sand.u32 $0x1, s1  }
0x8c: {  	s16 =	sshll.u32 s0, $0xA;
	s2 =	sadd.s32 s3, s2  }
0x8d: {  	s2 =	sadd.s32 s2, s16  }
0x8e: {  	[smem:$0x3FAD] =	sst s2  }
0x8f: {  	_ = 	snop  }
0x90: {  	(tm) =	ssettm $0x1  }
0x91: {  	s17 =	sld [smem:$0x3FFB];
	_ =	sdelay $0x3  }
0x92: {  	_ =	strace s17  }
0x93: {  	s2 =	sld [smem:$0x3FFC];
	_ =	sdelay $0x3  }
0x94: {  	_ =	strace s2  }
0x95: {  	s2 =	sld [smem:$0x3FFD];
	_ =	sdelay $0x3  }
0x96: {  	_ =	strace s2  }
0x97: {  	_ =	strace $0x8FFFFFFF  }
0x98: {  	s18 =	sld [smem:$0x3FDB];
	_ =	sdelay $0x1  }
0x99: {  	s19 =	simm.s32 $_scs_section_size  }
0x9a: {  	s4 =	simm.s32 $_size__tile_overlayer_lowered;
	s5 =	simm.s32 $_tile_overlayer_lowered  }
0x9b: {  	s22 =	simm.s32 $0x1BFF;
	s21 =	sshll.u32 s5, $0x1;
	s2 =	sadd.s32 s19, s18  }
0x9c: {  	s6 =	simm.s32 $0x0;
	s20 =	sshll.u32 s4, $0x1;
	s4 =	sadd.s32 s21, s2  }
0x9d: {  	[timem:s6], [sflag:s22] =	dma.local [hbm:s4], s20  }
0x9e: {  	_ =	swait.ge [sflag:s22], s20  }
0x9f: {  	s3 =	ssub.s32 $0x0, s20;
	[sflag:s22] =	ssyncset.done $0x0  }
0xa0: {  	[sflag:s22] =	ssyncadd.s32 s3;
	_ =	sdelay $0x1  }
0xa1: {  	s23 =	simm.s32 $0x1B8B  }
0xa2: {  	_ =	swait.ge [sflag:s23], $0x1  }
0xa3: {  	[sflag:s23] =	ssyncset.done $0x0  }
0xa4: {  	s25 =	simm.s32 $0x1B8E;
	s24 =	sld [smem:$0x3FFE];
	[sflag:s23] =	ssyncadd.s32 $0xFFFFFFFF  }
0xa5: {  	s26 =	simm.s32 $execute0_lowered;
	[smem:$0x3FD2] =	sst s25  }
0xa6: {  	s4 =	sshll.u32 s26, $0x1;
	_ =	strace $0x80000046;
	[dreg:$0x1] =	wrdreg $0xFFFFFFFF  }
0xa7: {  	s28 =	simm.s32 $_size_execute0_lowered;
	s2 =	sadd.s32 s2, s4;
	[dreg:$0x0] =	wrdreg $0x0  }
0xa8: {  	s4 =	sshll.u32 s28, $0x1;
	[dreg:$0x2] =	wrdreg s2  }
0xa9: {  	[dreg:$0x3] =	wrdreg s4  }
0xaa: {  	[dreg:$0x4] =	wrdreg $0xC0  }
0xab: {  	_ =	task [dreg:s6], $0x5FFFF  }
0xac: {  	[dreg:$0x1] =	wrdreg $0xFFFFFFFF  }
0xad: {  	[dreg:$0x0] =	wrdreg $0x60  }
0xae: {  	[dreg:$0x2] =	wrdreg s24  }
0xaf: {  	[dreg:$0x3] =	wrdreg $0x9  }
0xb0: {  	_ =	task.clear_ibuf [dreg:s6], $0x4FFFF;
	_ =	strace $0x90000046  }
0xb1: {  	s29 =	simm.s32 $0x9;
	_ =	strace $0x80000048  }
0xb2: {  	_ =	swait.ge [sflag:s29], $0x1  }
0xb3: {  	[sflag:s29] =	ssyncadd.s32 $0xFFFFFFFF  }
0xb4: {  	_ =	strace $0x90000048  }
0xb5: {  	_ =	sfence  }
0xb6: {  	s30 =	sld [smem:$0x0];
	_ =	sdelay $0x2  }
0xb7: {  	s31 =	sshll.u32 s1, $0xD;
	s1 =	sshrl.u32 s1, $0x2  }
0xb8: {  	s3 =	sand.u32 $0x4000, s31;
	s1 =	sadd.s32 s1, s30  }
0xb9: {  	s0 =	sor.u32 s3, s0;
	s1 =	sshll.u32 s1, $0x11  }
0xba: {  	s0 =	sor.u32 s1, s0  }
0xbb: {  	s0 =	sadd.s32 $0x8F2B, s0  }
0xbc: {  	[sflag:s0] =	ssyncadd.remote.s32 $0x1  }
0xbd: {  	_ =	sfence.sel $0xFFFF  }
0xbe: {  	[dreg:$0x0] =	wrdreg $0xFFFFFFFF;
	(pc) =	sbr.abs _section_cstart, $3  }
0xbf: {  	[dreg:$0x1] =	wrdreg $0xFFFFFFFF  }
0xc0: {  	_ =	task.clear_ibuf [dreg:s6], $0x2FFFF;
	_ =	strace $0x9FFFFFFF  }
0xc1: {  	(tm) =	ssettm $0x7FFFFFFF  }
tec
execute0_lowered:
.L_overlay_start_1:
0x0: {  	(tag) =	ssettag $0x1  }
0x1: {  	s4 =	rddreg [dreg:$0x0]  }
0x2: {  	s1 =	srdreg.scid;
	s0 =	rddreg [dreg:$0x1];
	s2 =	simm.s32 $0x0  }
0x3: {  	s10 =	simm.s32 $0x190;
	s11 =	simm.s32 $0x200;
	s5 =	sand.u32 $0x1, s1  }
0x4: {  	s12 =	simm.s32 $0x1;
	s1 =	stileid.u32;
	s6 =	smul.u32 $0x27100, s5  }
0x5: {  	s13 =	simm.s32 $0x0;
	[smem:$0x7FF] =	sst s2;
	s7 =	smul.u32 $0x2710, s1  }
0x6: {  	s3 =	sadd.s32 $0x52B600, s4;
	s8 =	smul.u32 $0x271000, s5;
	s5 =	ssub.s32 $0x2, s5  }
0x7: {  	_ =	strace $0x80000047;
	s9 =	smul.u32 $0x27100, s1;
	s30 =	sshrl.u32 s5, $0x1  }
0x8: {  	s6 =	sadd.s32 s7, s6;
	s29 =	sadd.s32 s8, s4;
	s5 =	ssub.s32 s5, s30  }
0x9: {  	s6 =	sshrl.u32 s6, $0x3;
	s7 =	sadd.s32 s9, s29;
	s5 =	smax.u32 s5, $0x1  }
0xa: {  	s9 =	simm.s32 $0x2;
	s31 =	sadd.s32 s6, s4;
	s4 =	sadd.s32 $0x552800, s7  }
0xb: {  	s6 =	sadd.s32 $0xA34800, s7;
	s7 =	sadd.s32 $0x3E00, s31;
	s8 =	sadd.s32 $0xDC00, s31  }
.LBB2_1:
0xc: {  	s14 =	sadd.s32 $0x0, s8  }
0xd: {  	[tilespmem:s2], [sflag:$0x2] =	stream.linear.gather [hbm4b:s14+s2], $0x190, $0x38;
	[tilespmem:$0xCA00] =	vst v63  }
0xe: {  	_ =	swait.ge [sflag:s9], $0x190  }
0xf: {  	[sflag:s9] =	ssyncset.done $0x0  }
0x10: {  	[sflag:s9] =	ssyncadd.s32 $0xFFFFFE70  }
0x11: {  	[tilespmem:s11], [sflag:$0x1] =	stream.indirect.gather [hbm4b:s3+s10], $0x80, s2, s10, $0xb8;
	[tilespmem:$0xCA00] =	vst v63  }
0x12: {  	_ =	swait.ge [sflag:s12], $0xC800  }
0x13: {  	[sflag:s12] =	ssyncset.done $0x0  }
0x14: {  	[sflag:s12] =	ssyncadd.s32 $0xFFFF3800  }
0x15: {  	[hbm4b:s4+s2] =	stream.linear.scatter [tilespmem:s11], [sflag:$0x2], $0xC800, $0x38;
	[tilespmem:$0xCA00] =	vst v63  }
0x16: {  	_ =	swait.ge [sflag:s9], $0xC800  }
0x17: {  	[sflag:s9] =	ssyncset.done $0x0  }
0x18: {  	s31 =	sadd.s32 $0x0, s7;
	[sflag:s9] =	ssyncadd.s32 $0xFFFF3800  }
0x19: {  	[tilespmem:s2], [sflag:$0x2] =	stream.linear.gather [hbm4b:s31+s2], $0x190, $0x38;
	[tilespmem:$0xCA00] =	vst v63  }
0x1a: {  	_ =	swait.ge [sflag:s9], $0x190  }
0x1b: {  	[sflag:s9] =	ssyncset.done $0x0  }
0x1c: {  	[sflag:s9] =	ssyncadd.s32 $0xFFFFFE70  }
0x1d: {  	[tilespmem:s11], [sflag:$0x1] =	stream.indirect.gather [hbm4b:s3+s10], $0x80, s2, s10, $0xb8;
	[tilespmem:$0xCA00] =	vst v63  }
0x1e: {  	_ =	swait.ge [sflag:s12], $0xC800  }
0x1f: {  	[sflag:s12] =	ssyncset.done $0x0  }
0x20: {  	[sflag:s12] =	ssyncadd.s32 $0xFFFF3800  }
0x21: {  	[hbm4b:s6+s2] =	stream.linear.scatter [tilespmem:s11], [sflag:$0x2], $0xC800, $0x38;
	[tilespmem:$0xCA00] =	vst v63  }
0x22: {  	s15 =	simm.s32 $0x32;
	s17 =	simm.s32 $0x64;
	_ =	swait.ge [sflag:s9], $0xC800  }
0x23: {  	s16 =	sadd.s32 $0x1900, s4;
	s14 =	sadd.s32 $0x1900, s6;
	[sflag:s9] =	ssyncset.done $0x0  }
.LBB2_2:
0x24: {  	s18 =	sadd.s32 s15, s8  }
0x25: {  	[sflag:s9] =	ssyncadd.s32 $0xFFFF3800;
	s19 =	smov.u32 s17;
	s20 =	sadd.s32 $0x32, s17  }
0x26: {  	[tilespmem:s2], [sflag:$0x2] =	stream.linear.gather [hbm4b:s18+s2], $0x190, $0x38;
	[tilespmem:$0xCA00] =	vst v63  }
0x27: {  	p0 =	sne.s32 s17, $0x4B0;
	_ =	swait.ge [sflag:s9], $0x190  }
0x28: {  	[sflag:s9] =	ssyncset.done $0x0  }
0x29: {  	[sflag:s9] =	ssyncadd.s32 $0xFFFFFE70  }
0x2a: {  	[tilespmem:s11], [sflag:$0x1] =	stream.indirect.gather [hbm4b:s3+s10], $0x80, s2, s10, $0xb8;
	[tilespmem:$0xCA00] =	vst v63  }
0x2b: {  	_ =	swait.ge [sflag:s12], $0xC800  }
0x2c: {  	[sflag:s12] =	ssyncset.done $0x0  }
0x2d: {  	[sflag:s12] =	ssyncadd.s32 $0xFFFF3800  }
0x2e: {  	[hbm4b:s16+s2] =	stream.linear.scatter [tilespmem:s11], [sflag:$0x2], $0xC800, $0x38;
	[tilespmem:$0xCA00] =	vst v63  }
0x2f: {  	_ =	swait.ge [sflag:s9], $0xC800  }
0x30: {  	[sflag:s9] =	ssyncset.done $0x0  }
0x31: {  	s17 =	sadd.s32 s15, s7;
	s15 =	smov.u32 s19;
	[sflag:s9] =	ssyncadd.s32 $0xFFFF3800  }
0x32: {  	[tilespmem:s2], [sflag:$0x2] =	stream.linear.gather [hbm4b:s17+s2], $0x190, $0x38;
	[tilespmem:$0xCA00] =	vst v63  }
0x33: {  	_ =	swait.ge [sflag:s9], $0x190  }
0x34: {  	[sflag:s9] =	ssyncset.done $0x0  }
0x35: {  	[sflag:s9] =	ssyncadd.s32 $0xFFFFFE70  }
0x36: {  	[tilespmem:s11], [sflag:$0x1] =	stream.indirect.gather [hbm4b:s3+s10], $0x80, s2, s10, $0xb8;
	[tilespmem:$0xCA00] =	vst v63  }
0x37: {  	_ =	swait.ge [sflag:s12], $0xC800  }
.Ltmp0:
0x38: {  	[sflag:s12] =	ssyncset.done $0x0;
	(pc) =	sbr.rel @p0 .LBB2_2-.Ltmp0, $4  }
0x39: {  	[sflag:s12] =	ssyncadd.s32 $0xFFFF3800  }
0x3a: {  	[hbm4b:s14+s2] =	stream.linear.scatter [tilespmem:s11], [sflag:$0x2], $0xC800, $0x38;
	[tilespmem:$0xCA00] =	vst v63  }
0x3b: {  	s16 =	sadd.s32 $0x1900, s16;
	_ =	swait.ge [sflag:s9], $0xC800  }
0x3c: {  	s17 =	smov.u32 s20;
	s14 =	sadd.s32 $0x1900, s14;
	[sflag:s9] =	ssyncset.done $0x0  }
0x3d: {  	s17 =	sadd.s32 s15, s8;
	[sflag:s9] =	ssyncadd.s32 $0xFFFF3800  }
0x3e: {  	[tilespmem:s2], [sflag:$0x2] =	stream.linear.gather [hbm4b:s17+s2], $0x190, $0x38;
	[tilespmem:$0xCA00] =	vst v63  }
0x3f: {  	_ =	swait.ge [sflag:s9], $0x190  }
0x40: {  	[sflag:s9] =	ssyncset.done $0x0  }
0x41: {  	[sflag:s9] =	ssyncadd.s32 $0xFFFFFE70  }
0x42: {  	[tilespmem:s11], [sflag:$0x1] =	stream.indirect.gather [hbm4b:s3+s10], $0x80, s2, s10, $0xb8;
	[tilespmem:$0xCA00] =	vst v63  }
0x43: {  	_ =	swait.ge [sflag:s12], $0xC800  }
0x44: {  	[sflag:s12] =	ssyncset.done $0x0  }
0x45: {  	[sflag:s12] =	ssyncadd.s32 $0xFFFF3800  }
0x46: {  	[hbm4b:s16+s2] =	stream.linear.scatter [tilespmem:s11], [sflag:$0x2], $0xC800, $0x38;
	[tilespmem:$0xCA00] =	vst v63  }
0x47: {  	_ =	swait.ge [sflag:s9], $0xC800  }
0x48: {  	[sflag:s9] =	ssyncset.done $0x0  }
0x49: {  	s31 =	sadd.s32 s15, s7;
	[sflag:s9] =	ssyncadd.s32 $0xFFFF3800  }
0x4a: {  	[tilespmem:s2], [sflag:$0x2] =	stream.linear.gather [hbm4b:s31+s2], $0x190, $0x38;
	[tilespmem:$0xCA00] =	vst v63  }
0x4b: {  	_ =	swait.ge [sflag:s9], $0x190  }
0x4c: {  	[sflag:s9] =	ssyncset.done $0x0  }
0x4d: {  	[sflag:s9] =	ssyncadd.s32 $0xFFFFFE70  }
0x4e: {  	[tilespmem:s11], [sflag:$0x1] =	stream.indirect.gather [hbm4b:s3+s10], $0x80, s2, s10, $0xb8;
	[tilespmem:$0xCA00] =	vst v63  }
0x4f: {  	s13 =	sadd.s32 $0x1, s13;
	_ =	swait.ge [sflag:s12], $0xC800  }
0x50: {  	p0 =	sne.s32 s13, s5;
	[sflag:s12] =	ssyncset.done $0x0  }
.Ltmp1:
0x51: {  	[sflag:s12] =	ssyncadd.s32 $0xFFFF3800;
	(pc) =	sbr.rel @p0 .LBB2_1-.Ltmp1, $4  }
0x52: {  	[hbm4b:s14+s2] =	stream.linear.scatter [tilespmem:s11], [sflag:$0x2], $0xC800, $0x38;
	[tilespmem:$0xCA00] =	vst v63  }
0x53: {  	_ =	swait.ge [sflag:s9], $0xC800  }
0x54: {  	[sflag:s9] =	ssyncset.done $0x0  }
0x55: {  	[sflag:s9] =	ssyncadd.s32 $0xFFFF3800  }
0x56: {  	_ =	sfence.sel $0x180000  }
0x57: {  	[bflag:$0x0] =	sbarrier.arrive $0xFFFF  }
0x58: {  	p0 =	sne.s32 s1, $0x0;
	_ =	strace $0x90000047  }
0x59: {  	s0 =	sadd.s32 @!p0 $0x100000, s0;
	[bflag:$0x2] =	sbarrier.arrive $0xFFFF  }
0x5a: {  	[sflag:s0] =	ssyncadd.tile.s32 @!p0 $0x1;
	_ =	shalt  }
.Lfunc_end2:
_tile_overlayer_lowered:
.L_overlay_start_2:
0x5b: {  	(tag) =	ssettag $0x2  }
0x5c: {  	s0 =	rddreg [dreg:$0x0];
	s2 =	stileid.u32  }
0x5d: {  	s1 =	rddreg [dreg:$0x1];
	p0 =	sne.s32 s2, $0x0  }
0x5e: {  	s3 =	rddreg [dreg:$0x2];
	[bflag:$0x3] =	sbarrier.arrive $0xFFFF;
	s2 =	simm.s32 @!p0 $0x1C02  }
0x5f: {  	[timem:s3], [sflag:s2] =	dma.local @!p0 [hbm:s0], s1  }
0x60: {  	s0 =	simm.s32 @!p0 $0x2  }
0x61: {  	_ =	swait.ge @!p0 [sflag:s0], s1  }
0x62: {  	s1 =	ssub.s32 @!p0 $0x0, s1;
	[sflag:s0] =	ssyncset.done @!p0 $0x0  }
0x63: {  	[sflag:s0] =	ssyncadd.s32 @!p0 s1  }
0x64: {  	[bflag:$0x3] =	sbarrier.arrive $0xFFFF  }
0x65: {  	_ =	shalt  }

</sc_bundles>
